<compile_context>
chip_gen: v7x
topology: tpu7x:2x2x1
jax: 0.10.2.dev20260603
libtpu: 0.0.44.dev20260713+nightly
codegen_flags: <defaults>
</compile_context>

<pallas_src>
import functools

import jax
import jax.numpy as jnp
from jax import lax
from jax.experimental import pallas as pl
from jax.experimental.pallas import tpu as pltpu
from jax.experimental.pallas import tpu_sc as plsc

_NUM_EMB = 100
_DIM = 64
_LANES = 16


def _sc_gather_body(ids_hbm, tab_hbm, out_hbm, ids_v, idx64, rows_v, sem):
    c = lax.axis_index("c")
    s = lax.axis_index("s")

    @pl.when((c == 0) & (s == 0))
    def _():
        zeros = jnp.zeros((_LANES,), jnp.int32)
        pltpu.sync_copy(ids_hbm.at[pl.ds(0, _LANES)], ids_v)
        seg_vec = ids_v[...].at[zeros].get(mode="promise_in_bounds")
        sub16 = lax.iota(jnp.int32, _LANES)
        for t in range(4):
            idx64[pl.ds(t * _LANES, _LANES)] = seg_vec * _DIM + t * _LANES + sub16
        gather = pltpu.make_async_copy(tab_hbm.at[idx64], rows_v, sem)
        gather.start()
        gather.wait()
        pltpu.sync_copy(rows_v, out_hbm)


def _tc_fill_body(row_ref, out_ref):
    col = row_ref[...][:, 0:1]
    out_ref[...] = jnp.broadcast_to(col.reshape(1, _DIM, 1), out_ref.shape)


def kernel(input_ids, table):
    batch, hist = input_ids.shape
    ids_flat = input_ids.reshape(-1)
    tab_splat = jnp.broadcast_to(
        table.reshape(_NUM_EMB, _DIM)[:, :, None], (_NUM_EMB, _DIM, 128)
    ).reshape(_NUM_EMB * _DIM, 128)

    sc_gather = functools.partial(
        pl.kernel,
        out_type=jax.ShapeDtypeStruct((_DIM, 128), jnp.float32),
        mesh=plsc.VectorSubcoreMesh(core_axis_name="c", subcore_axis_name="s"),
        scratch_types=[
            pltpu.VMEM((_LANES,), jnp.int32),
            pltpu.VMEM((_DIM,), jnp.int32),
            pltpu.VMEM((_DIM, 128), jnp.float32),
            pltpu.SemaphoreType.DMA,
        ],
    )(_sc_gather_body)

    row_splat = sc_gather(ids_flat, tab_splat)

    block_l = 8
    grid = hist // block_l
    assert grid * block_l == hist

    out_t = pl.pallas_call(
        _tc_fill_body,
        grid=(grid,),
        in_specs=[pl.BlockSpec((_DIM, 128), lambda i: (0, 0))],
        out_specs=pl.BlockSpec((block_l, _DIM, batch), lambda i: (i, 0, 0)),
        out_shape=jax.ShapeDtypeStruct((hist, _DIM, batch), jnp.float32),
    )(row_splat)

    return jnp.transpose(out_t, (2, 0, 1))

# --- scband reference (transcript-rebuilt; emitter-appended) ---
"""Pipeline reference for scband-segment-embedding-41188736369251 (READ-ONLY COPY).

The authoritative reference and input builder live on the scoring server;
editing this copy changes nothing except your own understanding.
"""

import jax, jax.numpy as jnp
import numpy as np

NUM_EMBEDDINGS = 100
EMBEDDING_DIM = 64
BATCH = 4096
HIST_LEN = 200

def setup_inputs(seed: int = 0) -> dict:
    key = jax.random.key(seed)
    k_idx, k_tab = jax.random.split(key)
    input_ids = jax.random.randint(k_idx, (BATCH, HIST_LEN), 0, NUM_EMBEDDINGS, dtype=jnp.int32)
    # Each nn.Embedding(1, d) in the ModuleList contributes a single [1, d] weight row;
    # stack them into a table of shape [num_embeddings, 1, embedding_dim].
    table = jax.random.normal(k_tab, (NUM_EMBEDDINGS, 1, EMBEDDING_DIM), dtype=jnp.float32)
    return {"input_ids": input_ids, "table": table}

def reference(input_ids, table):
    # torch: seg = self.embeds[input_ids[0,0].item()]; seg(zeros_like(input_ids))
    seg = input_ids[0, 0]
    w = table[seg]                      # [1, embedding_dim] (weight of the selected Embedding(1, d))
    zeros = jnp.zeros_like(input_ids)   # [B, L] of zeros -> always row 0 of the selected embedding
    seg_embeds = jnp.take(w, zeros, axis=0)  # [B, L, embedding_dim]
    return seg_embeds

if __name__ == "__main__":
    import jax
    _d = setup_inputs()
    print(jax.jit(kernel)(*tuple(_d.values())))

</pallas_src>

<mosaic_0001>
#map = affine_map<(d0, d1) -> (0)>
#map1 = affine_map<(d0, d1) -> (0, 0)>
module attributes {stable_mosaic.version = 14 : i64} {
  func.func @_sc_gather_body(%arg0: i32, %arg1: i32, %arg2: memref<819200xi32, #tpu.memory_space<hbm>>, %arg3: memref<6400x128xf32, #tpu.memory_space<hbm>>, %arg4: memref<64x128xf32, #tpu.memory_space<hbm>>, %arg5: memref<16xi32, #tpu.memory_space<vmem>>, %arg6: memref<64xi32, #tpu.memory_space<vmem>>, %arg7: memref<64x128xf32, #tpu.memory_space<vmem>>, %arg8: memref<!tpu.dma_semaphore, #tpu.memory_space<semaphore_mem>>) attributes {dimension_semantics = [#tpu.dimension_semantics<core_parallel>, #tpu.dimension_semantics<subcore_parallel>], iteration_bounds = array<i64: 2, 16>, scalar_prefetch = 0 : i64, scratch_operands = 4 : i64, tpu.core_type = #tpu.core_type<sc_vector_subcore>, window_params = [{transform_indices = #map}, {transform_indices = #map1}, {transform_indices = #map1}]} {
    %eq3A = arith.constant 0 : i32
    %eq3A_0 = arith.cmpi eq, %arg0, %eq3A : i32
    %eq3A_1 = arith.constant 0 : i32
    %eq3A_2 = arith.cmpi eq, %arg1, %eq3A_1 : i32
    %and3A = arith.andi %eq3A_0, %eq3A_2 : i1
    %convert_element_type3A = arith.extui %and3A : i1 to i32
    %cond3A = arith.constant 0 : i32
    %cond3A_3 = arith.cmpi ne, %convert_element_type3A, %cond3A : i32
    scf.if %cond3A_3 {
      %broadcast_in_dim3A = arith.constant 0 : i32
      %broadcast_in_dim3A_4 = vector.broadcast %broadcast_in_dim3A : i32 to vector<16xi32>
      "tpu.region"() ({
        %run_scoped3A = tpu.sem_alloc : memref<!tpu.dma_semaphore, #tpu.memory_space<semaphore_mem>>
        %dma_start3A_59 = arith.constant 0 : i32
        %dma_start3A_60 = tpu.memref_slice %arg2[%dma_start3A_59] : memref<819200xi32, #tpu.memory_space<hbm>> -> memref<16xi32, #tpu.memory_space<hbm>>
        %dma_start3A_61 = arith.constant 0 : i32
        %dma_start3A_62 = tpu.memref_slice %arg2[%dma_start3A_61] : memref<819200xi32, #tpu.memory_space<hbm>> -> memref<16xi32, #tpu.memory_space<hbm>>
        tpu.enqueue_dma source(%dma_start3A_62 : memref<16xi32, #tpu.memory_space<hbm>>) target(%arg5 : memref<16xi32, #tpu.memory_space<vmem>>) target_semaphore(%run_scoped3A : memref<!tpu.dma_semaphore, #tpu.memory_space<semaphore_mem>>)
        %dma_wait3A_63 = arith.constant 0 : i32
        %dma_wait3A_64 = tpu.memref_slice %arg2[%dma_wait3A_63] : memref<819200xi32, #tpu.memory_space<hbm>> -> memref<16xi32, #tpu.memory_space<hbm>>
        %dma_wait3A_65 = arith.constant 0 : i32
        %dma_wait3A_66 = tpu.memref_slice %arg2[%dma_wait3A_65] : memref<819200xi32, #tpu.memory_space<hbm>> -> memref<16xi32, #tpu.memory_space<hbm>>
        tpu.wait_dma2 semaphore(%run_scoped3A : memref<!tpu.dma_semaphore, #tpu.memory_space<semaphore_mem>>) src(%dma_wait3A_66 : memref<16xi32, #tpu.memory_space<hbm>>) dst(%arg5 : memref<16xi32, #tpu.memory_space<vmem>>)
        tpu.yield
      }) : () -> ()
      %get3A = arith.constant 0 : index
      %get3A_5 = tpu.vector_load %arg5[%get3A] {strides = array<i32>} : memref<16xi32, #tpu.memory_space<vmem>>, vector<16xi32>,
      %get3A_6 = vector.shape_cast %get3A_5 : vector<16xi32> to vector<16xi32>
      %lt3A = arith.constant 0 : i32
      %lt3A_7 = vector.broadcast %lt3A : i32 to vector<16xi32>
      %lt3A_8 = arith.cmpi slt, %broadcast_in_dim3A_4, %lt3A_7 : vector<16xi32>
      %add3A = arith.constant 16 : i32
      %add3A_9 = vector.broadcast %add3A : i32 to vector<16xi32>
      %add3A_10 = arith.addi %broadcast_in_dim3A_4, %add3A_9 : vector<16xi32>
      %select_n3A = arith.select %lt3A_8, %add3A_10, %broadcast_in_dim3A_4 : vector<16xi1>, vector<16xi32>
      %broadcast_in_dim3A_11 = vector.shape_cast %select_n3A : vector<16xi32> to vector<16x1xi32>
      %gather3A = vector.shape_cast %broadcast_in_dim3A_11 : vector<16x1xi32> to vector<16xi32>
      %gather3A_12 = tpu.dynamic_gather %get3A_6[%gather3A] in [0] : vector<16xi32>, vector<16xi32> -> vector<16xi32>
      %iota3A = tpu.iota {dimensions = array<i32: 0>} : vector<16xi32>
      %mul3A = arith.constant 64 : i32
      %mul3A_13 = vector.broadcast %mul3A : i32 to vector<16xi32>
      %mul3A_14 = arith.muli %gather3A_12, %mul3A_13 : vector<16xi32>
      %add3A_15 = arith.constant 0 : i32
      %add3A_16 = vector.broadcast %add3A_15 : i32 to vector<16xi32>
      %add3A_17 = arith.addi %mul3A_14, %add3A_16 : vector<16xi32>
      %add3A_18 = arith.addi %add3A_17, %iota3A : vector<16xi32>
      %swap3A = arith.constant 0 : index
      %swap3A_19 = tpu.vector_load %arg6[%swap3A] {strides = array<i32>} : memref<64xi32, #tpu.memory_space<vmem>>, vector<16xi32>,
      %swap3A_20 = vector.shape_cast %swap3A_19 : vector<16xi32> to vector<16xi32>
      %swap3A_21 = vector.shape_cast %add3A_18 : vector<16xi32> to vector<16xi32>
      tpu.vector_store %arg6[%swap3A], %swap3A_21 {strides = array<i32>} : memref<64xi32, #tpu.memory_space<vmem>>, vector<16xi32>,
      %mul3A_22 = arith.constant 64 : i32
      %mul3A_23 = vector.broadcast %mul3A_22 : i32 to vector<16xi32>
      %mul3A_24 = arith.muli %gather3A_12, %mul3A_23 : vector<16xi32>
      %add3A_25 = arith.constant 16 : i32
      %add3A_26 = vector.broadcast %add3A_25 : i32 to vector<16xi32>
      %add3A_27 = arith.addi %mul3A_24, %add3A_26 : vector<16xi32>
      %add3A_28 = arith.addi %add3A_27, %iota3A : vector<16xi32>
      %swap3A_29 = arith.constant 16 : index
      %swap3A_30 = tpu.vector_load %arg6[%swap3A_29] {strides = array<i32>} : memref<64xi32, #tpu.memory_space<vmem>>, vector<16xi32>,
      %swap3A_31 = vector.shape_cast %swap3A_30 : vector<16xi32> to vector<16xi32>
      %swap3A_32 = vector.shape_cast %add3A_28 : vector<16xi32> to vector<16xi32>
      tpu.vector_store %arg6[%swap3A_29], %swap3A_32 {strides = array<i32>} : memref<64xi32, #tpu.memory_space<vmem>>, vector<16xi32>,
      %mul3A_33 = arith.constant 64 : i32
      %mul3A_34 = vector.broadcast %mul3A_33 : i32 to vector<16xi32>
      %mul3A_35 = arith.muli %gather3A_12, %mul3A_34 : vector<16xi32>
      %add3A_36 = arith.constant 32 : i32
      %add3A_37 = vector.broadcast %add3A_36 : i32 to vector<16xi32>
      %add3A_38 = arith.addi %mul3A_35, %add3A_37 : vector<16xi32>
      %add3A_39 = arith.addi %add3A_38, %iota3A : vector<16xi32>
      %swap3A_40 = arith.constant 32 : index
      %swap3A_41 = tpu.vector_load %arg6[%swap3A_40] {strides = array<i32>} : memref<64xi32, #tpu.memory_space<vmem>>, vector<16xi32>,
      %swap3A_42 = vector.shape_cast %swap3A_41 : vector<16xi32> to vector<16xi32>
      %swap3A_43 = vector.shape_cast %add3A_39 : vector<16xi32> to vector<16xi32>
      tpu.vector_store %arg6[%swap3A_40], %swap3A_43 {strides = array<i32>} : memref<64xi32, #tpu.memory_space<vmem>>, vector<16xi32>,
      %mul3A_44 = arith.constant 64 : i32
      %mul3A_45 = vector.broadcast %mul3A_44 : i32 to vector<16xi32>
      %mul3A_46 = arith.muli %gather3A_12, %mul3A_45 : vector<16xi32>
      %add3A_47 = arith.constant 48 : i32
      %add3A_48 = vector.broadcast %add3A_47 : i32 to vector<16xi32>
      %add3A_49 = arith.addi %mul3A_46, %add3A_48 : vector<16xi32>
      %add3A_50 = arith.addi %add3A_49, %iota3A : vector<16xi32>
      %swap3A_51 = arith.constant 48 : index
      %swap3A_52 = tpu.vector_load %arg6[%swap3A_51] {strides = array<i32>} : memref<64xi32, #tpu.memory_space<vmem>>, vector<16xi32>,
      %swap3A_53 = vector.shape_cast %swap3A_52 : vector<16xi32> to vector<16xi32>
      %swap3A_54 = vector.shape_cast %add3A_50 : vector<16xi32> to vector<16xi32>
      tpu.vector_store %arg6[%swap3A_51], %swap3A_54 {strides = array<i32>} : memref<64xi32, #tpu.memory_space<vmem>>, vector<16xi32>,
      %dma_start3A = arith.constant 0 : i32
      %dma_start3A_55 = arith.constant 0 : i32
      %dma_start3A_56 = tpu.memref_slice %arg3[%dma_start3A, %dma_start3A_55] : memref<6400x128xf32, #tpu.memory_space<hbm>> -> memref<6400x128xf32, #tpu.memory_space<hbm>>
      tpu.enqueue_indirect_dma source(%dma_start3A_56 : memref<6400x128xf32, #tpu.memory_space<hbm>>) target(%arg7 : memref<64x128xf32, #tpu.memory_space<vmem>>) offsets(%arg6 : memref<64xi32, #tpu.memory_space<vmem>>) semaphore(%arg8 : memref<!tpu.dma_semaphore, #tpu.memory_space<semaphore_mem>>)
      %dma_wait3A = arith.constant 0 : i32
      %dma_wait3A_57 = arith.constant 0 : i32
      %dma_wait3A_58 = tpu.memref_slice %arg3[%dma_wait3A, %dma_wait3A_57] : memref<6400x128xf32, #tpu.memory_space<hbm>> -> memref<6400x128xf32, #tpu.memory_space<hbm>>
      tpu.wait_indirect_dma semaphore(%arg8 : memref<!tpu.dma_semaphore, #tpu.memory_space<semaphore_mem>>) src(%dma_wait3A_58 : memref<6400x128xf32, #tpu.memory_space<hbm>>) dst(%arg7 : memref<64x128xf32, #tpu.memory_space<vmem>>)
      "tpu.region"() ({
        %run_scoped3A = tpu.sem_alloc : memref<!tpu.dma_semaphore, #tpu.memory_space<semaphore_mem>>
        tpu.enqueue_dma source(%arg7 : memref<64x128xf32, #tpu.memory_space<vmem>>) target(%arg4 : memref<64x128xf32, #tpu.memory_space<hbm>>) target_semaphore(%run_scoped3A : memref<!tpu.dma_semaphore, #tpu.memory_space<semaphore_mem>>)
        tpu.wait_dma2 semaphore(%run_scoped3A : memref<!tpu.dma_semaphore, #tpu.memory_space<semaphore_mem>>) src(%arg7 : memref<64x128xf32, #tpu.memory_space<vmem>>) dst(%arg4 : memref<64x128xf32, #tpu.memory_space<hbm>>)
        tpu.yield
      }) : () -> ()
    } else {
    }
    return
  }
}

module attributes {stable_mosaic.version = 14 : i64} {
  func.func @_tc_fill_body(%arg0: i32, %arg1: memref<64x128xf32, #tpu.memory_space<vmem>>, %arg2: memref<8x64x4096xf32, #tpu.memory_space<vmem>>) attributes {dimension_semantics = [#tpu.dimension_semantics<arbitrary>], iteration_bounds = array<i64: 25>, scalar_prefetch = 0 : i64, scratch_operands = 0 : i64, tpu.core_type = #tpu.core_type<tc>, window_params = [{pipeline_mode = #tpu.pipeline_mode<synchronous>, transform_indices = @transform_0, window_bounds = array<i64: 64, 128>}, {transform_indices = @transform_1, window_bounds = array<i64: 8, 64, 4096>}]} {
    %get3A = arith.constant 0 : index
    %get3A_0 = arith.constant 0 : index
    %get3A_1 = vector.load %arg1[%get3A, %get3A_0] : memref<64x128xf32, #tpu.memory_space<vmem>>, vector<64x128xf32>
    %slice3A = vector.extract_strided_slice %get3A_1 {offsets = [0, 0], sizes = [64, 1], strides = [1, 1]} : vector<64x128xf32> to vector<64x1xf32>
    %reshape3A = vector.shape_cast %slice3A : vector<64x1xf32> to vector<1x64x1xf32>
    %broadcast_in_dim3A = vector.shape_cast %reshape3A : vector<1x64x1xf32> to vector<1x64x1xf32>
    %broadcast_in_dim3A_2 = vector.broadcast %broadcast_in_dim3A : vector<1x64x1xf32> to vector<8x64x4096xf32>
    %swap3A = arith.constant 0 : index
    %swap3A_3 = arith.constant 0 : index
    %swap3A_4 = arith.constant 0 : index
    %swap3A_5 = vector.load %arg2[%swap3A, %swap3A_3, %swap3A_4] : memref<8x64x4096xf32, #tpu.memory_space<vmem>>, vector<8x64x4096xf32>
    tpu.vector_store %arg2[%swap3A, %swap3A_3, %swap3A_4], %broadcast_in_dim3A_2 {strides = array<i32>} : memref<8x64x4096xf32, #tpu.memory_space<vmem>>, vector<8x64x4096xf32>,
    return
  }
  func.func @transform_0(%arg0: i32) -> (i32, i32) {
    %c0_i32 = arith.constant 0 : i32
    %c0_i32_0 = arith.constant 0 : i32
    %c0_i32_1 = arith.constant 0 : i32
    return %c0_i32, %c0_i32_0 : i32, i32
  }
  func.func @transform_1(%arg0: i32) -> (i32, i32, i32) {
    %c0_i32 = arith.constant 0 : i32
    %c0_i32_0 = arith.constant 0 : i32
    %c0_i32_1 = arith.constant 0 : i32
    return %arg0, %c0_i32, %c0_i32_0 : i32, i32, i32
  }
}

</mosaic_0001>

<sc_bundles>
// kernel: kernel.4.cloned.1.call-start
scs
__scs_entry_jumppad:
0x0: {  	(pc) =	sbr.rel $0x88, $3  }
0x1: {  	(tag) =	ssettag $0x0;
	lr =	simm.s32 $0x1  }
0x2: {  	[smem:$0x3F9F] =	sst lr;
	_ =	strace $0xD0000000  }
0x3: {  	_ = 	snop  }
0x4: {  	_ = 	snop  }
0x5: {  	_ = 	snop  }
0x6: {  	_ = 	snop  }
0x7: {  	_ = 	snop  }
__scs_overlays_trampoline_lowered:
0x8: {  	[smem:$0x3FAE] =	sst s0  }
0x9: {  	[smem:$0x3FAF] =	sst s1  }
0xa: {  	[smem:$0x3FB0] =	sst s2  }
0xb: {  	[smem:$0x3FB1] =	sst s3  }
0xc: {  	[smem:$0x3FB2] =	sst s4  }
0xd: {  	[smem:$0x3FB3] =	sst s5  }
0xe: {  	[smem:$0x3FB4] =	sst s6  }
0xf: {  	[smem:$0x3FB5] =	sst s7  }
0x10: {  	[smem:$0x3FB6] =	sst s8  }
0x11: {  	[smem:$0x3FB7] =	sst s9;
	s0 =	simm.s32 @!p0 $0x0  }
0x12: {  	s1 =	sld [smem:$0x3F9D];
	s0 =	simm.s32 @p0 $0x1  }
0x13: {  	[smem:$0x3FB8] =	sst s0;
	s0 =	simm.s32 @!p1 $0x0  }
0x14: {  	s2 =	sld [smem:$0x3F9C];
	s0 =	simm.s32 @p1 $0x1  }
0x15: {  	[smem:$0x3FB9] =	sst s0;
	s0 =	simm.s32 @!p2 $0x0  }
0x16: {  	s3 =	sld [smem:$0x3FDB];
	s0 =	simm.s32 @p2 $0x1  }
0x17: {  	s4 =	simm.s32 $0x1BF5;
	[smem:$0x3FBB] =	sst s0  }
0x18: {  	s0 =	sld [smem:$0x3F9E];
	_ =	swait.ge [sflag:s4], $0x0  }
0x19: {  	s7 =	sld [smem:$0x3F9F]  }
0x1a: {  	s8 =	sadd.s32 $0xFFFFE003, lr  }
0x1b: {  	s9 =	sadd.s32 $0xFFFFFEF7, lr;
	s5 =	simm.s32 $0xFFFFFFFF;
	p2 =	slt.u32 s8, $0xFFFFF086  }
0x1c: {  	p1 =	slt.u32 s9, $0xF7A;
	s5 =	simm.s32 @!p2 $0x0  }
0x1d: {  	s5 =	simm.s32 @p1 $0x1;
	p0 =	seq.s32 s7, s2  }
0x1e: {  	s7 =	smul.u32 @!p0 $0xF7A, s2;
	p2 =	seq.s32 @!p0 s5, $0x0  }
0x1f: {  	s9 =	smul.u32 $0xF7A, s1;
	s8 =	simm.s32 @!p0 $0x1BF5;
	p2 =	por !p2, p0  }
0x20: {  	[sflag:s8] =	ssyncset.s32 @!p0 $0xFFFFF086;
	s6 =	sadd.s32 @!p0 s3, s7;
	s7 =	simm.s32 @!p0 $0x108  }
0x21: {  	s3 =	sadd.s32 s3, s9;
	s6 =	sadd.s32 @!p0 $0x88, s6;
	s7 =	simm.s32 @p2 $0x1082  }
0x22: {  	[simem:s7], [sflag:s8] =	dma.local @!p0 [hbm:s6], $0xF7A  }
0x23: {  	s9 =	sor.u32 $0xD0000000, s2;
	s6 =	simm.s32 $0x108;
	_ =	swait.ge @!p0 [sflag:s8], $0x0  }
0x24: {  	s3 =	sadd.s32 $0x88, s3;
	s6 =	simm.s32 @!p1 $0x1082;
	[sflag:s4] =	ssyncset.s32 $0xFFFFF086  }
0x25: {  	[simem:s6], [sflag:s4] =	dma.local [hbm:s3], $0xF7A  }
0x26: {  	[smem:$0x3F9F] =	sst s1;
	(tag) =	ssettag s2;
	_ =	strace s9  }
0x27: {  	s1 =	sld [smem:$0x3FAF]  }
0x28: {  	s2 =	sld [smem:$0x3FB0]  }
0x29: {  	s4 =	sld [smem:$0x3FB2]  }
0x2a: {  	p0 =	seq.s32 s5, $0x0;
	s5 =	sld [smem:$0x3FB3]  }
0x2b: {  	s6 =	sld [smem:$0x3FB4]  }
0x2c: {  	s7 =	sld [smem:$0x3FB5]  }
0x2d: {  	s3 =	simm.s32 $0x108;
	s8 =	sld [smem:$0x3FB6]  }
0x2e: {  	s3 =	simm.s32 @!p0 $0x1082;
	s9 =	sld [smem:$0x3FB7]  }
0x2f: {  	lr =	sadd.s32 s0, s3;
	s0 =	sld [smem:$0x3FAE]  }
0x30: {  	s3 =	sld [smem:$0x3FB1]  }
0x31: {  	[smem:$0x3FBA] =	sst s10  }
0x32: {  	s10 =	sld [smem:$0x3FB8];
	_ =	sdelay $0x3  }
0x33: {  	p0 =	seq.s32 s10, $0x1;
	s10 =	sld [smem:$0x3FBA];
	_ =	sdelay $0x3  }
0x34: {  	[smem:$0x3FBA] =	sst s10  }
0x35: {  	s10 =	sld [smem:$0x3FB9];
	_ =	sdelay $0x3  }
0x36: {  	p1 =	seq.s32 s10, $0x1;
	s10 =	sld [smem:$0x3FBA];
	_ =	sdelay $0x3  }
0x37: {  	[smem:$0x3FBA] =	sst s10  }
0x38: {  	s10 =	sld [smem:$0x3FBB]  }
0x39: {  	_ = 	snop;
	(pc) =	sbr.ind lr, $3  }
0x3a: {  	_ = 	snop  }
0x3b: {  	_ = 	snop  }
0x3c: {  	p2 =	seq.s32 s10, $0x1;
	s10 =	sld [smem:$0x3FBA]  }
0x3d: {  	_ =	shalt  }
0x3e: {  	_ =	shalt  }
0x3f: {  	_ =	shalt  }
0x40: {  	_ =	shalt  }
0x41: {  	_ =	shalt  }
0x42: {  	_ =	shalt  }
0x43: {  	_ =	shalt  }
0x44: {  	_ =	shalt  }
0x45: {  	_ =	shalt  }
0x46: {  	_ =	shalt  }
0x47: {  	_ =	shalt  }
0x48: {  	_ =	shalt  }
0x49: {  	_ =	shalt  }
0x4a: {  	_ =	shalt  }
0x4b: {  	_ =	shalt  }
0x4c: {  	_ =	shalt  }
0x4d: {  	_ =	shalt  }
0x4e: {  	_ =	shalt  }
0x4f: {  	_ =	shalt  }
0x50: {  	_ =	shalt  }
0x51: {  	_ =	shalt  }
0x52: {  	_ =	shalt  }
0x53: {  	_ =	shalt  }
0x54: {  	_ =	shalt  }
0x55: {  	_ =	shalt  }
0x56: {  	_ =	shalt  }
0x57: {  	_ =	shalt  }
0x58: {  	_ =	shalt  }
0x59: {  	_ =	shalt  }
0x5a: {  	_ =	shalt  }
0x5b: {  	_ =	shalt  }
0x5c: {  	_ =	shalt  }
0x5d: {  	_ =	shalt  }
0x5e: {  	_ =	shalt  }
0x5f: {  	_ =	shalt  }
0x60: {  	_ =	shalt  }
0x61: {  	_ =	shalt  }
0x62: {  	_ =	shalt  }
0x63: {  	_ =	shalt  }
0x64: {  	_ =	shalt  }
0x65: {  	_ =	shalt  }
0x66: {  	_ =	shalt  }
0x67: {  	_ =	shalt  }
0x68: {  	_ =	shalt  }
0x69: {  	_ =	shalt  }
0x6a: {  	_ =	shalt  }
0x6b: {  	_ =	shalt  }
0x6c: {  	_ =	shalt  }
0x6d: {  	_ =	shalt  }
0x6e: {  	_ =	shalt  }
0x6f: {  	_ =	shalt  }
0x70: {  	_ =	shalt  }
0x71: {  	_ =	shalt  }
0x72: {  	_ =	shalt  }
0x73: {  	_ =	shalt  }
0x74: {  	_ =	shalt  }
0x75: {  	_ =	shalt  }
0x76: {  	_ =	shalt  }
0x77: {  	_ =	shalt  }
0x78: {  	_ =	shalt  }
0x79: {  	_ =	shalt  }
0x7a: {  	_ =	shalt  }
0x7b: {  	_ =	shalt  }
0x7c: {  	_ =	shalt  }
0x7d: {  	_ =	shalt  }
0x7e: {  	_ =	shalt  }
0x7f: {  	_ =	shalt  }
0x80: {  	_ =	shalt  }
0x81: {  	_ =	shalt  }
0x82: {  	_ =	shalt  }
0x83: {  	_ =	shalt  }
0x84: {  	_ =	shalt  }
0x85: {  	_ =	shalt  }
0x86: {  	_ =	shalt  }
0x87: {  	_ =	shalt  }
.Lfunc_end0:
.L_simem_size_0:
called_computation_lowered:
.L_overlay_start_0:
0x88: {  	s2 =	sld [smem:$0x3FD9]  }
0x89: {  	s3 =	sld [smem:$0x3FFE];
	_ =	sdelay $0x1  }
0x8a: {  	s1 =	srdreg.scid  }
0x8b: {  	s0 =	sand.u32 $0x1, s1  }
0x8c: {  	s17 =	sshll.u32 s0, $0xA;
	s2 =	sadd.s32 s3, s2  }
0x8d: {  	s2 =	sadd.s32 s2, s17  }
0x8e: {  	[smem:$0x3FC6] =	sst s2  }
0x8f: {  	_ = 	snop  }
0x90: {  	s2 =	sld [smem:$0x3FD0];
	(tm) =	ssettm $0x1  }
0x91: {  	s18 =	sld [smem:$0x3FFB];
	_ =	sdelay $0x3  }
0x92: {  	_ =	strace s18  }
0x93: {  	s3 =	sld [smem:$0x3FFC];
	_ =	sdelay $0x3  }
0x94: {  	_ =	strace s3  }
0x95: {  	s3 =	sld [smem:$0x3FFD];
	_ =	sdelay $0x3  }
0x96: {  	_ =	strace s3  }
0x97: {  	_ =	strace $0x8FFFFFFF  }
0x98: {  	s19 =	sld [smem:$0x3FDB];
	_ =	sdelay $0x1  }
0x99: {  	s4 =	simm.s32 $_scs_section_size  }
0x9a: {  	s5 =	simm.s32 $_size__tile_overlayer_lowered;
	s6 =	simm.s32 $_tile_overlayer_lowered  }
0x9b: {  	s22 =	simm.s32 $0x1BFF;
	s21 =	sshll.u32 s6, $0x1;
	s3 =	sadd.s32 s4, s19  }
0x9c: {  	s7 =	simm.s32 $0x0;
	s20 =	sshll.u32 s5, $0x1;
	s5 =	sadd.s32 s21, s3  }
0x9d: {  	[timem:s7], [sflag:s22] =	dma.local [hbm:s5], s20  }
0x9e: {  	_ =	swait.ge [sflag:s22], s20  }
0x9f: {  	s4 =	ssub.s32 $0x0, s20;
	[sflag:s22] =	ssyncset.done $0x0  }
0xa0: {  	[sflag:s22] =	ssyncadd.s32 s4;
	_ =	sdelay $0x1  }
0xa1: {  	s23 =	simm.s32 $0x1B8B  }
0xa2: {  	_ =	swait.ge [sflag:s23], $0x1  }
0xa3: {  	[sflag:s23] =	ssyncset.done $0x0  }
0xa4: {  	s25 =	simm.s32 $0x1B8E;
	s24 =	sld [smem:$0x3FFE];
	[sflag:s23] =	ssyncadd.s32 $0xFFFFFFFF  }
0xa5: {  	s26 =	simm.s32 $execute0_lowered;
	[smem:$0x3FD2] =	sst s25  }
0xa6: {  	s5 =	sshll.u32 s26, $0x1;
	_ =	strace $0x80000046;
	[dreg:$0x1] =	wrdreg $0xFFFFFFFF  }
0xa7: {  	s28 =	simm.s32 $_size_execute0_lowered;
	s3 =	sadd.s32 s3, s5;
	[dreg:$0x0] =	wrdreg $0x0  }
0xa8: {  	s5 =	sshll.u32 s28, $0x1;
	[dreg:$0x2] =	wrdreg s3  }
0xa9: {  	[dreg:$0x3] =	wrdreg s5  }
0xaa: {  	[dreg:$0x4] =	wrdreg $0xC0  }
0xab: {  	_ =	task [dreg:s7], $0x5FFFF  }
0xac: {  	[dreg:$0x1] =	wrdreg $0xFFFFFFFF  }
0xad: {  	[dreg:$0x0] =	wrdreg $0x60  }
0xae: {  	[dreg:$0x2] =	wrdreg s2  }
0xaf: {  	[dreg:$0x3] =	wrdreg s24  }
0xb0: {  	[dreg:$0x4] =	wrdreg $0x9  }
0xb1: {  	_ =	task.clear_ibuf [dreg:s7], $0x5FFFF;
	_ =	strace $0x90000046  }
0xb2: {  	s29 =	simm.s32 $0x9;
	_ =	strace $0x80000048  }
0xb3: {  	_ =	swait.ge [sflag:s29], $0x1  }
0xb4: {  	[sflag:s29] =	ssyncadd.s32 $0xFFFFFFFF  }
0xb5: {  	_ =	strace $0x90000048  }
0xb6: {  	_ =	sfence  }
0xb7: {  	s30 =	sld [smem:$0x0];
	_ =	sdelay $0x2  }
0xb8: {  	s31 =	sshll.u32 s1, $0xD;
	s1 =	sshrl.u32 s1, $0x2  }
0xb9: {  	s3 =	sand.u32 $0x4000, s31;
	s1 =	sadd.s32 s1, s30  }
0xba: {  	s0 =	sor.u32 s3, s0;
	s1 =	sshll.u32 s1, $0x11  }
0xbb: {  	s0 =	sor.u32 s1, s0  }
0xbc: {  	s0 =	sadd.s32 $0x8F2B, s0  }
0xbd: {  	[sflag:s0] =	ssyncadd.remote.s32 $0x1  }
0xbe: {  	_ =	sfence.sel $0xFFFF  }
0xbf: {  	[dreg:$0x0] =	wrdreg $0xFFFFFFFF;
	(pc) =	sbr.abs _section_cstart, $3  }
0xc0: {  	[dreg:$0x1] =	wrdreg $0xFFFFFFFF  }
0xc1: {  	_ =	task.clear_ibuf [dreg:s7], $0x2FFFF;
	_ =	strace $0x9FFFFFFF  }
0xc2: {  	(tm) =	ssettm $0x7FFFFFFF  }
0xc3: {  	_ =	shalt  }
tec
execute0_lowered:
.L_overlay_start_1:
0x0: {  	(tag) =	ssettag $0x1  }
0x1: {  	s0 =	srdreg.scid  }
0x2: {  	s5 =	sand.u32 $0x1, s0;
	s0 =	stileid.u32  }
0x3: {  	s3 =	sor.u32 s0, s5  }
0x4: {  	p0 =	sne.s32 s3, $0x0  }
.Ltmp0:
0x5: {  	_ = 	snop;
	(pc) =	sbr.rel @p0 .LBB2_4-.Ltmp0, $4  }
0x6: {  	_ = 	snop  }
0x7: {  	s2 =	rddreg [dreg:$0x0]  }
0x8: {  	s10 =	rddreg [dreg:$0x1]  }
0x9: {  	s1 =	rddreg [dreg:$0x2];
	_ =	strace $0x80000047  }
0xa: {  	s4 =	simm.s32 $0x0;
	s3 =	simm.s32 $0x2  }
0xb: {  	[tilespmem:s4], [sflag:$0x2] =	stream.linear.gather [hbm4b:s2+s4], $0x10, $0x38;
	[tilespmem:$0x2100] =	vst v63  }
0xc: {  	_ =	swait.ge [sflag:s3], $0x10  }
0xd: {  	[sflag:s3] =	ssyncset.done $0x0  }
0xe: {  	[sflag:s3] =	ssyncadd.s32 $0xFFFFFFF0  }
0xf: {  	v1 =	vld [tilespmem:$0x0];
	_ =	sdelay $0x3  }
0x10: {  	v0 =	vimm.s32 $0x0  }
0x11: {  	v2 =	vperm.xlane v1, v0;
	_ =	sdelay $0x1  }
0x12: {  	v1 =	vlaneseq.u32;
	v5 =	vshll.u32 v2, $0x6  }
0x13: {  	s11 =	ssub.s32 $0x2, s5;
	v2 =	vor.u32 $0x20, v1;
	v4 =	vor.u32 v1, v5  }
0x14: {  	s12 =	sshrl.u32 s11, $0x1;
	v3 =	vor.u32 $0x30, v1;
	v6 =	vor.u32 v2, v5;
	[tilespmem:$0x80] =	vst v4  }
0x15: {  	s5 =	sadd.s32 $0x600, s10;
	s11 =	ssub.s32 s11, s12;
	v7 =	vor.u32 v3, v5;
	v4 =	vor.u32 $0x10, v1;
	[tilespmem:$0xA0] =	vst v6  }
0x16: {  	s6 =	simm.s32 $0x40;
	s8 =	simm.s32 $0x80;
	p0 =	sne.s32 s11, $0x1;
	[tilespmem:$0xB0] =	vst v7;
	v5 =	vor.u32 v4, v5  }
.Ltmp1:
0x17: {  	s7 =	simm.s32 $0x100;
	s9 =	simm.s32 $0x1;
	[tilespmem:$0x90] =	vst v5;
	(pc) =	sbr.rel @!p0 .LBB2_3-.Ltmp1, $4  }
0x18: {  	[tilespmem:s7], [sflag:$0x1] =	stream.indirect.gather [hbm4b:s5+s6], $0x80, s8, s6, $0xb8;
	[tilespmem:$0x2100] =	vst v63  }
0x19: {  	_ =	swait.ge [sflag:s9], $0x2000  }
0x1a: {  	[sflag:s9] =	ssyncset.done $0x0  }
0x1b: {  	s10 =	sadd.s32 $0x19600, s10;
	s11 =	sadd.s32 $0xFFFFFFFF, s11;
	[sflag:s9] =	ssyncadd.s32 $0xFFFFE000  }
.LBB2_2:
0x1c: {  	[hbm4b:s10+s4] =	stream.linear.scatter [tilespmem:s7], [sflag:$0x2], $0x2000, $0x38;
	[tilespmem:$0x2100] =	vst v63  }
0x1d: {  	p0 =	sne.s32 s11, $0x1;
	s11 =	sadd.s32 $0xFFFFFFFF, s11;
	_ =	swait.ge [sflag:s3], $0x2000  }
0x1e: {  	[sflag:s3] =	ssyncset.done $0x0  }
0x1f: {  	[sflag:s3] =	ssyncadd.s32 $0xFFFFE000  }
0x20: {  	[tilespmem:s4], [sflag:$0x2] =	stream.linear.gather [hbm4b:s2+s4], $0x10, $0x38;
	[tilespmem:$0x2100] =	vst v63  }
0x21: {  	_ =	swait.ge [sflag:s3], $0x10  }
0x22: {  	[sflag:s3] =	ssyncset.done $0x0  }
0x23: {  	[sflag:s3] =	ssyncadd.s32 $0xFFFFFFF0  }
0x24: {  	v5 =	vld [tilespmem:$0x0];
	_ =	sdelay $0x4  }
0x25: {  	v5 =	vperm.xlane v5, v0;
	_ =	sdelay $0x1  }
0x26: {  	v5 =	vshll.u32 v5, $0x6  }
0x27: {  	v6 =	vor.u32 v1, v5;
	v7 =	vor.u32 v4, v5;
	v8 =	vor.u32 v2, v5  }
0x28: {  	v5 =	vor.u32 v3, v5;
	[tilespmem:$0x80] =	vst v6  }
0x29: {  	[tilespmem:$0xA0] =	vst v8  }
0x2a: {  	[tilespmem:$0xB0] =	vst v5  }
.Ltmp2:
0x2b: {  	[tilespmem:$0x90] =	vst v7;
	(pc) =	sbr.rel @p0 .LBB2_2-.Ltmp2, $4  }
0x2c: {  	[tilespmem:s7], [sflag:$0x1] =	stream.indirect.gather [hbm4b:s5+s6], $0x80, s8, s6, $0xb8;
	[tilespmem:$0x2100] =	vst v63  }
0x2d: {  	_ =	swait.ge [sflag:s9], $0x2000  }
0x2e: {  	[sflag:s9] =	ssyncset.done $0x0  }
0x2f: {  	[sflag:s9] =	ssyncadd.s32 $0xFFFFE000  }
.LBB2_3:
0x30: {  	[hbm4b:s10+s4] =	stream.linear.scatter [tilespmem:s7], [sflag:$0x2], $0x2000, $0x38;
	[tilespmem:$0x2100] =	vst v63  }
0x31: {  	_ =	swait.ge [sflag:s3], $0x2000  }
0x32: {  	[sflag:s3] =	ssyncset.done $0x0  }
0x33: {  	[sflag:s3] =	ssyncadd.s32 $0xFFFFE000  }
.LBB2_4:
0x34: {  	_ =	sfence.sel $0x180000  }
0x35: {  	[bflag:$0x0] =	sbarrier.arrive $0xFFFF  }
0x36: {  	p0 =	sne.s32 s0, $0x0;
	_ =	strace $0x90000047  }
0x37: {  	s0 =	sadd.s32 @!p0 $0x100000, s1;
	[bflag:$0x2] =	sbarrier.arrive $0xFFFF  }
0x38: {  	[sflag:s0] =	ssyncadd.tile.s32 @!p0 $0x1;
	_ =	shalt  }
.Lfunc_end2:
_tile_overlayer_lowered:
.L_overlay_start_2:
0x39: {  	(tag) =	ssettag $0x2  }
0x3a: {  	s0 =	rddreg [dreg:$0x0];
	s2 =	stileid.u32  }
0x3b: {  	s1 =	rddreg [dreg:$0x1];
	p0 =	sne.s32 s2, $0x0  }
0x3c: {  	s3 =	rddreg [dreg:$0x2];
	[bflag:$0x3] =	sbarrier.arrive $0xFFFF;
	s2 =	simm.s32 @!p0 $0x1C02  }
0x3d: {  	[timem:s3], [sflag:s2] =	dma.local @!p0 [hbm:s0], s1  }
0x3e: {  	s0 =	simm.s32 @!p0 $0x2  }
0x3f: {  	_ =	swait.ge @!p0 [sflag:s0], s1  }
0x40: {  	s1 =	ssub.s32 @!p0 $0x0, s1;
	[sflag:s0] =	ssyncset.done @!p0 $0x0  }
0x41: {  	[sflag:s0] =	ssyncadd.s32 @!p0 s1  }
0x42: {  	[bflag:$0x3] =	sbarrier.arrive $0xFFFF  }
0x43: {  	_ =	shalt  }

</sc_bundles>
